<compile_context>
chip_gen: v7x
topology: tpu7x:2x2x1
jax: 0.10.2.dev20260603
libtpu: 0.0.44.dev20260713+nightly
codegen_flags: <defaults>
</compile_context>

<pallas_src>
import dataclasses
import functools

import jax
import jax.numpy as jnp
from jax import lax
from jax.experimental import pallas as pl
from jax.experimental.pallas import tpu as pltpu
from jax.experimental.pallas import tpu_sc as plsc

_N = 10000
_W = 32
_PAD = 320
_PN = _W * _PAD
_CAP = _N * 32
_K = 128
_L = 16
_NW = 640


def _sc_params():
    cp = pltpu.CompilerParams()
    if "needs_layout_passes" in pltpu.CompilerParams.__dataclass_fields__:
        cp = dataclasses.replace(cp, needs_layout_passes=False)
    return cp


def _proj_body(x_ref, wl_ref, wr_ref, hl_ref, hr_ref):
    x = x_ref[...]
    hl_ref[...] = jnp.dot(x, wl_ref[...], preferred_element_type=jnp.float32)
    hr_ref[...] = jnp.dot(x, wr_ref[...], preferred_element_type=jnp.float32)


def _proj(x, wl, wr):
    n, din = x.shape
    dout = wl.shape[1]
    blk = 1024
    return pl.pallas_call(
        _proj_body,
        grid=(n // blk,),
        in_specs=[
            pl.BlockSpec((blk, din), lambda i: (i, 0)),
            pl.BlockSpec((din, dout), lambda i: (0, 0)),
            pl.BlockSpec((din, dout), lambda i: (0, 0)),
        ],
        out_specs=[
            pl.BlockSpec((blk, dout), lambda i: (i, 0)),
            pl.BlockSpec((blk, dout), lambda i: (i, 0)),
        ],
        out_shape=[
            jax.ShapeDtypeStruct((n, dout), jnp.float32),
            jax.ShapeDtypeStruct((n, dout), jnp.float32),
        ],
    )(x, wl, wr)


def _pack_body(a_ref, pw_ref, out_ref):
    a = a_ref[...].astype(jnp.bfloat16)
    w16 = lax.dot_general(a, pw_ref[...],
                          (((0,), (1,)), ((), ())),
                          preferred_element_type=jnp.float32)
    out_ref[...] = w16.astype(jnp.int32)


def _bitpack(A):
    dblk = 128
    pow_const = jnp.where(
        (jnp.arange(_N)[None, :] // 16) == jnp.arange(_NW)[:, None],
        jnp.exp2(jnp.arange(_N, dtype=jnp.float32) % 16)[None, :],
        0.0).astype(jnp.bfloat16)
    return pl.pallas_call(
        _pack_body,
        grid=(pl.cdiv(_N, dblk),),
        in_specs=[
            pl.BlockSpec((_N, dblk), lambda i: (0, i)),
            pl.BlockSpec((_NW, _N), lambda i: (0, 0)),
        ],
        out_specs=pl.BlockSpec((dblk, _NW), lambda i: (i, 0)),
        out_shape=jax.ShapeDtypeStruct((_N, _NW), jnp.int32),
    )(A, pow_const)


@jax.jit
def _sc_extract(bm):
    mesh = plsc.VectorSubcoreMesh(core_axis_name="c", subcore_axis_name="s")

    @functools.partial(
        pl.kernel,
        out_type=[
            jax.ShapeDtypeStruct((_W * _CAP,), jnp.int32),
            jax.ShapeDtypeStruct((_PN,), jnp.int32),
        ],
        mesh=mesh,
        compiler_params=_sc_params(),
        scratch_types=[
            pltpu.VMEM((16, _NW), jnp.int32),
            pltpu.VMEM((256,), jnp.int32),
            pltpu.VMEM((_PAD,), jnp.int32),
        ],
    )
    def extract(bm_hbm, edges_hbm, deg_hbm, bm_buf, ring, deg_buf):
        w = lax.axis_index("c") * 16 + lax.axis_index("s")
        node0 = w * _PAD
        ebase = w * _CAP
        lanes = lax.iota(jnp.int32, _L)

        for t in range(16):
            ring[pl.ds(16 * t, 16)] = jnp.zeros((16,), jnp.int32)

        def row_body(d, carry):
            cur, nfl, deg_vec = carry
            valid = node0 + d < _N

            @pl.when(valid & (lax.rem(d, 16) == 0))
            def _():
                pltpu.sync_copy(
                    bm_hbm.at[pl.ds(pl.multiple_of(node0 + d, 16), 16)],
                    bm_buf)

            drow = lax.rem(d, 16)
            n0 = 128 * nfl + cur

            def vreg_body(v, carry2):
                cur, nfl = carry2
                wvec = bm_buf[drow, pl.ds(_L * v, _L)]

                def bit_body(st):
                    wv, cur, nfl = st
                    low = wv & (-wv)
                    e = (lax.shift_right_logical(
                        plsc.bitcast(low.astype(jnp.float32), jnp.int32),
                        23) - 127)
                    widx = _L * v + lanes
                    src = widx * 16 + e
                    mask = wv != 0
                    plsc.store_compressed(ring.at[pl.ds(cur, _L)], src,
                                          mask=mask)
                    cnt = plsc.all_reduce_population_count(mask)[0]
                    cur = cur + cnt
                    wv = wv ^ low

                    @pl.when(cur >= 128)
                    def _():
                        pltpu.sync_copy(
                            ring.at[pl.ds(0, 128)],
                            edges_hbm.at[pl.ds(ebase + nfl * 128, 128)])
                        for t in range(8):
                            ring[pl.ds(16 * t, 16)] = \
                                ring[pl.ds(128 + 16 * t, 16)]

                    nfl = jnp.where(cur >= 128, nfl + 1, nfl)
                    cur = jnp.where(cur >= 128, cur - 128, cur)
                    return wv, cur, nfl

                wv, cur, nfl = lax.while_loop(
                    lambda st: jnp.any(st[0] != 0), bit_body,
                    (wvec, cur, nfl))
                return cur, nfl

            cur, nfl = lax.cond(
                valid,
                lambda c: lax.fori_loop(0, _NW // _L, vreg_body, c),
                lambda c: c, (cur, nfl))

            rowcnt = (128 * nfl + cur) - n0
            deg_vec = deg_vec + jnp.where(lanes == drow, rowcnt, 0)

            @pl.when(lax.rem(d, 16) == 15)
            def _():
                deg_buf[pl.ds(pl.multiple_of(d - 15, 16), 16)] = deg_vec

            deg_vec = jnp.where(lax.rem(d, 16) == 15,
                                jnp.zeros((_L,), jnp.int32), deg_vec)
            return cur, nfl, deg_vec

        cur, nfl, _unused = lax.fori_loop(
            0, _PAD, row_body,
            (jnp.int32(0), jnp.int32(0), jnp.zeros((_L,), jnp.int32)))

        @pl.when(cur > 0)
        def _():
            pltpu.sync_copy(ring.at[pl.ds(0, 128)],
                            edges_hbm.at[pl.ds(ebase + nfl * 128, 128)])

        pltpu.sync_copy(deg_buf, deg_hbm.at[pl.ds(node0, _PAD)])

    return extract(bm)


@functools.partial(jax.jit, static_argnames=("dout",))
def _sc_layer(hl, hr, att, deg, edges, dout):
    r_blk = dout // _L
    mesh = plsc.VectorSubcoreMesh(core_axis_name="c", subcore_axis_name="s")

    @functools.partial(
        pl.kernel,
        out_type=jax.ShapeDtypeStruct((_PN, dout), jnp.float32),
        mesh=mesh,
        compiler_params=_sc_params(),
        scratch_types=[
            pltpu.VMEM((2 * _K, dout), jnp.float32),
            pltpu.VMEM((2 * _K,), jnp.int32),
            pltpu.VMEM((16, dout), jnp.float32),
            pltpu.VMEM((16, dout), jnp.float32),
            pltpu.VMEM((dout,), jnp.float32),
            pltpu.VMEM((_PAD + _L,), jnp.int32),
            pltpu.SemaphoreType.DMA,
            pltpu.SemaphoreType.DMA,
        ],
    )
    def layer(hl_hbm, hr_hbm, att_hbm, deg_hbm, edges_hbm, out_hbm,
              hr_buf, idx_buf, hl_buf, out_buf, att_buf, deg_buf,
              sem0, sem1):
        w = lax.axis_index("c") * 16 + lax.axis_index("s")
        node0 = w * _PAD
        ebase = w * _CAP

        pltpu.sync_copy(att_hbm, att_buf)
        pltpu.sync_copy(deg_hbm.at[pl.ds(node0, _PAD)],
                        deg_buf.at[pl.ds(0, _PAD)])
        att_v = [att_buf[pl.ds(_L * j, _L)] for j in range(r_blk)]

        dacc = jnp.zeros((_L,), jnp.int32)
        for t in range(_PAD // _L):
            dacc = dacc + deg_buf[pl.ds(_L * t, _L)]
        cnt = jnp.sum(dacc)

        def _gather(par, sem):
            pltpu.async_copy(
                hr_hbm.at[idx_buf.at[pl.ds(par * _K, _K)]],
                hr_buf.at[pl.ds(par * _K, _K)], sem)

        def _gwait(par, sem):
            pltpu.make_async_copy(
                hr_hbm.at[idx_buf.at[pl.ds(par * _K, _K)]],
                hr_buf.at[pl.ds(par * _K, _K)], sem).wait()

        @pl.when(cnt > 0)
        def _():
            pltpu.sync_copy(edges_hbm.at[pl.ds(ebase, _K)],
                            idx_buf.at[pl.ds(0, _K)])
            _gather(0, sem0)

        def seg_body(d, seg_base):
            @pl.when(lax.rem(d, 16) == 0)
            def _():
                pltpu.sync_copy(
                    hl_hbm.at[pl.ds(pl.multiple_of(node0 + d, 16), 16)],
                    hl_buf)

            drow = lax.rem(d, 16)
            hl_v = [hl_buf[drow, pl.ds(_L * j, _L)] for j in range(r_blk)]
            r = deg_buf[pl.ds(d, _L)][0]

            def edge_body(k, carry):
                m, den, acc = carry
                g = seg_base + k

                @pl.when(lax.rem(g, _K) == 0)
                def _():
                    c = g // _K
                    par = lax.rem(c, 2)
                    npar = 1 - par

                    @pl.when(par == 0)
                    def _():
                        _gwait(0, sem0)

                    @pl.when(par == 1)
                    def _():
                        _gwait(1, sem1)

                    @pl.when((c + 1) * _K < cnt)
                    def _():
                        pltpu.sync_copy(
                            edges_hbm.at[pl.ds(ebase + (c + 1) * _K, _K)],
                            idx_buf.at[pl.ds(npar * _K, _K)])

                        @pl.when(par == 0)
                        def _():
                            _gather(1, sem1)

                        @pl.when(par == 1)
                        def _():
                            _gather(0, sem0)

                row = lax.rem(g, 2 * _K)
                hr_v = [hr_buf[row, pl.ds(_L * j, _L)] for j in range(r_blk)]
                s = jnp.zeros((_L,), jnp.float32)
                for j in range(r_blk):
                    t = hl_v[j] + hr_v[j]
                    t = jnp.maximum(t, 0.0) + 0.2 * jnp.minimum(t, 0.0)
                    s = s + t * att_v[j]
                e = jnp.sum(s)
                new_m = jnp.maximum(m, e)
                scale = jnp.exp(jnp.full((_L,), m - new_m, jnp.float32))
                wv = jnp.exp(jnp.full((_L,), e - new_m, jnp.float32))
                den = den * scale + wv
                acc = [acc[j] * scale + wv * hr_v[j] for j in range(r_blk)]
                return new_m, den, acc

            init = (jnp.float32(-jnp.inf),
                    jnp.zeros((_L,), jnp.float32),
                    [jnp.zeros((_L,), jnp.float32) for _ in range(r_blk)])
            m, den, acc = lax.fori_loop(0, r, edge_body, init)

            ok = den > 0.0
            for j in range(r_blk):
                out_buf[drow, pl.ds(_L * j, _L)] = jnp.where(
                    ok, acc[j] / jnp.where(ok, den, 1.0), 0.0)

            @pl.when(lax.rem(d, 16) == 15)
            def _():
                pltpu.sync_copy(
                    out_buf,
                    out_hbm.at[pl.ds(pl.multiple_of(node0 + d - 15, 16), 16)])

            return seg_base + r

        lax.fori_loop(0, _PAD, seg_body, jnp.int32(0))

    return layer(hl, hr, att, deg, edges)


def kernel(X, A, params):
    bm = _bitpack(A)
    edge_arr, deg_pad = _sc_extract(bm)
    H = jnp.pad(X, ((0, _PN - _N), (0, 0)))
    for layer in params["enc"] + params["dec"]:
        din, dout = layer["Wl"].shape
        dip = max(din, 128)
        dop = max(dout, 128)
        wl = jnp.pad(layer["Wl"], ((0, dip - din), (0, dop - dout)))
        wr = jnp.pad(layer["Wr"], ((0, dip - din), (0, dop - dout)))
        att = jnp.pad(layer["att"], (0, dop - dout))
        hl, hr = _proj(H, wl, wr)
        H = _sc_layer(hl, hr, att, deg_pad, edge_arr, dout=dop)
    return H[:_N]

# --- scband reference (transcript-rebuilt; emitter-appended) ---
"""Pipeline reference for scband-hcd-47914655154444 (READ-ONLY COPY).

The authoritative reference and input builder live on the scoring server;
editing this copy changes nothing except your own understanding.
"""

import jax, jax.numpy as jnp
import numpy as np

N = 10000
D = 128
AVG_DEG = 32
HID = [256, 128, 64]


def glorot(key, shape):
    lim = float(np.sqrt(6.0 / (shape[0] + shape[1])))
    return jax.random.uniform(key, shape, minval=-lim, maxval=lim, dtype=jnp.float32)


def setup_inputs(seed: int = 0) -> dict:
    key = jax.random.key(seed)
    ks = jax.random.split(key, 64)
    X = jax.random.normal(ks[0], (N, D), dtype=jnp.float32)
    # sparse binary adjacency with avg degree ~32, stored densely (module API takes dense A)
    E = N * AVG_DEG
    src = jax.random.randint(ks[1], (E,), 0, N)
    dst = jax.random.randint(ks[2], (E,), 0, N)
    A = jnp.zeros((N, N), dtype=jnp.float32).at[src, dst].set(1.0)
    dims_enc = [D] + HID                      # 128 -> 256 -> 128 -> 64
    dims_dec = [HID[-1]] + HID[::-1][1:] + [D]  # 64 -> 128 -> 256 -> 128
    params = {"enc": [], "dec": []}
    ki = 3
    for din, dout in zip(dims_enc[:-1], dims_enc[1:]):
        params["enc"].append({
            "Wl": glorot(ks[ki], (din, dout)),
            "Wr": glorot(ks[ki + 1], (din, dout)),
            "att": glorot(ks[ki + 2], (dout, 1))[:, 0],
        })
        ki += 3
    for din, dout in zip(dims_dec[:-1], dims_dec[1:]):
        params["dec"].append({
            "Wl": glorot(ks[ki], (din, dout)),
            "Wr": glorot(ks[ki + 1], (din, dout)),
            "att": glorot(ks[ki + 2], (dout, 1))[:, 0],
        })
        ki += 3
    return {"X": X, "A": A, "params": params}


def gatv2_layer(x, src, dst, p, n):
    # GATv2Conv (heads=1): e_ij = att^T LeakyReLU(Wl x_i + Wr x_j), softmax over in-neighbors of i
    hl = x @ p["Wl"]
    hr = x @ p["Wr"]
    e = jax.nn.leaky_relu(hl[dst] + hr[src], negative_slope=0.2) @ p["att"]
    m = jax.ops.segment_max(e, dst, num_segments=n)
    m = jnp.where(jnp.isfinite(m), m, 0.0)
    ex = jnp.exp(e - m[dst])
    den = jax.ops.segment_sum(ex, dst, num_segments=n)
    alpha = ex / (den[dst] + 1e-16)
    return jax.ops.segment_sum(alpha[:, None] * hr[src], dst, num_segments=n)


def reference(X, A, params):
    # pyg_utils.dense_to_sparse(A)
    nz = jnp.nonzero(A, size=N * AVG_DEG, fill_value=N)
    src, dst = nz[0], nz[1]
    # GATE encoder
    H = X
    for layer in params["enc"]:
        H = gatv2_layer(H, src, dst, layer, N)
    # GATE decoder (mirrored) reconstructs node attributes X_hat
    Z = H
    for layer in params["dec"]:
        Z = gatv2_layer(Z, src, dst, layer, N)
    X_hat = Z
    return X_hat

if __name__ == "__main__":
    import jax
    _d = setup_inputs()
    print(jax.jit(kernel)(*tuple(_d.values())))

</pallas_src>

<mosaic_0001>
#map = affine_map<(d0, d1) -> (0, 0)>
#map1 = affine_map<(d0, d1) -> (0)>
module attributes {stable_mosaic.version = 14 : i64} {
  func.func @extract(%arg0: i32, %arg1: i32, %arg2: memref<10000x640xi32, #tpu.memory_space<hbm>>, %arg3: memref<10240000xi32, #tpu.memory_space<hbm>>, %arg4: memref<10240xi32, #tpu.memory_space<hbm>>, %arg5: memref<16x640xi32, #tpu.memory_space<vmem>>, %arg6: memref<256xi32, #tpu.memory_space<vmem>>, %arg7: memref<320xi32, #tpu.memory_space<vmem>>) attributes {dimension_semantics = [#tpu.dimension_semantics<core_parallel>, #tpu.dimension_semantics<subcore_parallel>], iteration_bounds = array<i64: 2, 16>, scalar_prefetch = 0 : i64, scratch_operands = 3 : i64, tpu.core_type = #tpu.core_type<sc_vector_subcore>, window_params = [{transform_indices = #map}, {transform_indices = #map1}, {transform_indices = #map1}]} {
    %mul3A = arith.constant 16 : i32
    %mul3A_0 = arith.muli %arg0, %mul3A : i32
    %add3A = arith.addi %mul3A_0, %arg1 : i32
    %mul3A_1 = arith.constant 320 : i32
    %mul3A_2 = arith.muli %add3A, %mul3A_1 : i32
    %mul3A_3 = arith.constant 320000 : i32
    %mul3A_4 = arith.muli %add3A, %mul3A_3 : i32
    %iota3A = tpu.iota {dimensions = array<i32: 0>} : vector<16xi32>
    %broadcast_in_dim3A = arith.constant 0 : i32
    %broadcast_in_dim3A_5 = vector.broadcast %broadcast_in_dim3A : i32 to vector<16xi32>
    %swap3A = arith.constant 0 : index
    %swap3A_6 = tpu.vector_load %arg6[%swap3A] {strides = array<i32>} : memref<256xi32, #tpu.memory_space<vmem>>, vector<16xi32>,
    tpu.vector_store %arg6[%swap3A], %broadcast_in_dim3A_5 {strides = array<i32>} : memref<256xi32, #tpu.memory_space<vmem>>, vector<16xi32>,
    %broadcast_in_dim3A_7 = arith.constant 0 : i32
    %broadcast_in_dim3A_8 = vector.broadcast %broadcast_in_dim3A_7 : i32 to vector<16xi32>
    %swap3A_9 = arith.constant 16 : index
    %swap3A_10 = tpu.vector_load %arg6[%swap3A_9] {strides = array<i32>} : memref<256xi32, #tpu.memory_space<vmem>>, vector<16xi32>,
    tpu.vector_store %arg6[%swap3A_9], %broadcast_in_dim3A_8 {strides = array<i32>} : memref<256xi32, #tpu.memory_space<vmem>>, vector<16xi32>,
    %broadcast_in_dim3A_11 = arith.constant 0 : i32
    %broadcast_in_dim3A_12 = vector.broadcast %broadcast_in_dim3A_11 : i32 to vector<16xi32>
    %swap3A_13 = arith.constant 32 : index
    %swap3A_14 = tpu.vector_load %arg6[%swap3A_13] {strides = array<i32>} : memref<256xi32, #tpu.memory_space<vmem>>, vector<16xi32>,
    tpu.vector_store %arg6[%swap3A_13], %broadcast_in_dim3A_12 {strides = array<i32>} : memref<256xi32, #tpu.memory_space<vmem>>, vector<16xi32>,
    %broadcast_in_dim3A_15 = arith.constant 0 : i32
    %broadcast_in_dim3A_16 = vector.broadcast %broadcast_in_dim3A_15 : i32 to vector<16xi32>
    %swap3A_17 = arith.constant 48 : index
    %swap3A_18 = tpu.vector_load %arg6[%swap3A_17] {strides = array<i32>} : memref<256xi32, #tpu.memory_space<vmem>>, vector<16xi32>,
    tpu.vector_store %arg6[%swap3A_17], %broadcast_in_dim3A_16 {strides = array<i32>} : memref<256xi32, #tpu.memory_space<vmem>>, vector<16xi32>,
    %broadcast_in_dim3A_19 = arith.constant 0 : i32
    %broadcast_in_dim3A_20 = vector.broadcast %broadcast_in_dim3A_19 : i32 to vector<16xi32>
    %swap3A_21 = arith.constant 64 : index
    %swap3A_22 = tpu.vector_load %arg6[%swap3A_21] {strides = array<i32>} : memref<256xi32, #tpu.memory_space<vmem>>, vector<16xi32>,
    tpu.vector_store %arg6[%swap3A_21], %broadcast_in_dim3A_20 {strides = array<i32>} : memref<256xi32, #tpu.memory_space<vmem>>, vector<16xi32>,
    %broadcast_in_dim3A_23 = arith.constant 0 : i32
    %broadcast_in_dim3A_24 = vector.broadcast %broadcast_in_dim3A_23 : i32 to vector<16xi32>
    %swap3A_25 = arith.constant 80 : index
    %swap3A_26 = tpu.vector_load %arg6[%swap3A_25] {strides = array<i32>} : memref<256xi32, #tpu.memory_space<vmem>>, vector<16xi32>,
    tpu.vector_store %arg6[%swap3A_25], %broadcast_in_dim3A_24 {strides = array<i32>} : memref<256xi32, #tpu.memory_space<vmem>>, vector<16xi32>,
    %broadcast_in_dim3A_27 = arith.constant 0 : i32
    %broadcast_in_dim3A_28 = vector.broadcast %broadcast_in_dim3A_27 : i32 to vector<16xi32>
    %swap3A_29 = arith.constant 96 : index
    %swap3A_30 = tpu.vector_load %arg6[%swap3A_29] {strides = array<i32>} : memref<256xi32, #tpu.memory_space<vmem>>, vector<16xi32>,
    tpu.vector_store %arg6[%swap3A_29], %broadcast_in_dim3A_28 {strides = array<i32>} : memref<256xi32, #tpu.memory_space<vmem>>, vector<16xi32>,
    %broadcast_in_dim3A_31 = arith.constant 0 : i32
    %broadcast_in_dim3A_32 = vector.broadcast %broadcast_in_dim3A_31 : i32 to vector<16xi32>
    %swap3A_33 = arith.constant 112 : index
    %swap3A_34 = tpu.vector_load %arg6[%swap3A_33] {strides = array<i32>} : memref<256xi32, #tpu.memory_space<vmem>>, vector<16xi32>,
    tpu.vector_store %arg6[%swap3A_33], %broadcast_in_dim3A_32 {strides = array<i32>} : memref<256xi32, #tpu.memory_space<vmem>>, vector<16xi32>,
    %broadcast_in_dim3A_35 = arith.constant 0 : i32
    %broadcast_in_dim3A_36 = vector.broadcast %broadcast_in_dim3A_35 : i32 to vector<16xi32>
    %swap3A_37 = arith.constant 128 : index
    %swap3A_38 = tpu.vector_load %arg6[%swap3A_37] {strides = array<i32>} : memref<256xi32, #tpu.memory_space<vmem>>, vector<16xi32>,
    tpu.vector_store %arg6[%swap3A_37], %broadcast_in_dim3A_36 {strides = array<i32>} : memref<256xi32, #tpu.memory_space<vmem>>, vector<16xi32>,
    %broadcast_in_dim3A_39 = arith.constant 0 : i32
    %broadcast_in_dim3A_40 = vector.broadcast %broadcast_in_dim3A_39 : i32 to vector<16xi32>
    %swap3A_41 = arith.constant 144 : index
    %swap3A_42 = tpu.vector_load %arg6[%swap3A_41] {strides = array<i32>} : memref<256xi32, #tpu.memory_space<vmem>>, vector<16xi32>,
    tpu.vector_store %arg6[%swap3A_41], %broadcast_in_dim3A_40 {strides = array<i32>} : memref<256xi32, #tpu.memory_space<vmem>>, vector<16xi32>,
    %broadcast_in_dim3A_43 = arith.constant 0 : i32
    %broadcast_in_dim3A_44 = vector.broadcast %broadcast_in_dim3A_43 : i32 to vector<16xi32>
    %swap3A_45 = arith.constant 160 : index
    %swap3A_46 = tpu.vector_load %arg6[%swap3A_45] {strides = array<i32>} : memref<256xi32, #tpu.memory_space<vmem>>, vector<16xi32>,
    tpu.vector_store %arg6[%swap3A_45], %broadcast_in_dim3A_44 {strides = array<i32>} : memref<256xi32, #tpu.memory_space<vmem>>, vector<16xi32>,
    %broadcast_in_dim3A_47 = arith.constant 0 : i32
    %broadcast_in_dim3A_48 = vector.broadcast %broadcast_in_dim3A_47 : i32 to vector<16xi32>
    %swap3A_49 = arith.constant 176 : index
    %swap3A_50 = tpu.vector_load %arg6[%swap3A_49] {strides = array<i32>} : memref<256xi32, #tpu.memory_space<vmem>>, vector<16xi32>,
    tpu.vector_store %arg6[%swap3A_49], %broadcast_in_dim3A_48 {strides = array<i32>} : memref<256xi32, #tpu.memory_space<vmem>>, vector<16xi32>,
    %broadcast_in_dim3A_51 = arith.constant 0 : i32
    %broadcast_in_dim3A_52 = vector.broadcast %broadcast_in_dim3A_51 : i32 to vector<16xi32>
    %swap3A_53 = arith.constant 192 : index
    %swap3A_54 = tpu.vector_load %arg6[%swap3A_53] {strides = array<i32>} : memref<256xi32, #tpu.memory_space<vmem>>, vector<16xi32>,
    tpu.vector_store %arg6[%swap3A_53], %broadcast_in_dim3A_52 {strides = array<i32>} : memref<256xi32, #tpu.memory_space<vmem>>, vector<16xi32>,
    %broadcast_in_dim3A_55 = arith.constant 0 : i32
    %broadcast_in_dim3A_56 = vector.broadcast %broadcast_in_dim3A_55 : i32 to vector<16xi32>
    %swap3A_57 = arith.constant 208 : index
    %swap3A_58 = tpu.vector_load %arg6[%swap3A_57] {strides = array<i32>} : memref<256xi32, #tpu.memory_space<vmem>>, vector<16xi32>,
    tpu.vector_store %arg6[%swap3A_57], %broadcast_in_dim3A_56 {strides = array<i32>} : memref<256xi32, #tpu.memory_space<vmem>>, vector<16xi32>,
    %broadcast_in_dim3A_59 = arith.constant 0 : i32
    %broadcast_in_dim3A_60 = vector.broadcast %broadcast_in_dim3A_59 : i32 to vector<16xi32>
    %swap3A_61 = arith.constant 224 : index
    %swap3A_62 = tpu.vector_load %arg6[%swap3A_61] {strides = array<i32>} : memref<256xi32, #tpu.memory_space<vmem>>, vector<16xi32>,
    tpu.vector_store %arg6[%swap3A_61], %broadcast_in_dim3A_60 {strides = array<i32>} : memref<256xi32, #tpu.memory_space<vmem>>, vector<16xi32>,
    %broadcast_in_dim3A_63 = arith.constant 0 : i32
    %broadcast_in_dim3A_64 = vector.broadcast %broadcast_in_dim3A_63 : i32 to vector<16xi32>
    %swap3A_65 = arith.constant 240 : index
    %swap3A_66 = tpu.vector_load %arg6[%swap3A_65] {strides = array<i32>} : memref<256xi32, #tpu.memory_space<vmem>>, vector<16xi32>,
    tpu.vector_store %arg6[%swap3A_65], %broadcast_in_dim3A_64 {strides = array<i32>} : memref<256xi32, #tpu.memory_space<vmem>>, vector<16xi32>,
    %broadcast_in_dim3A_67 = arith.constant 0 : i32
    %broadcast_in_dim3A_68 = vector.broadcast %broadcast_in_dim3A_67 : i32 to vector<16xi32>
    %scan3A = arith.constant 0 : i32
    %scan3A_69 = arith.constant 0 : i32
    %scan3A_70 = arith.constant 0 : i32
    %scan3A_71 = arith.constant 320 : i32
    %scan3A_72 = arith.addi %scan3A_70, %scan3A_71 : i32
    %scan3A_73 = arith.constant 1 : i32
    %scan3A_74:3 = scf.for %scan3A_78 = %scan3A_70 to %scan3A_72 step %scan3A_73 iter_args(%scan3A_79 = %scan3A, %scan3A_80 = %scan3A_69, %scan3A_81 = %broadcast_in_dim3A_68) -> (i32, i32, vector<16xi32>)  : i32 {
      %add3A_82 = arith.addi %mul3A_2, %scan3A_78 : i32
      %lt3A = arith.constant 10000 : i32
      %lt3A_83 = arith.cmpi slt, %add3A_82, %lt3A : i32
      %rem3A = arith.constant 16 : i32
      %rem3A_84 = arith.remsi %scan3A_78, %rem3A : i32
      %eq3A = arith.constant 0 : i32
      %eq3A_85 = arith.cmpi eq, %rem3A_84, %eq3A : i32
      %and3A = arith.andi %lt3A_83, %eq3A_85 : i1
      %convert_element_type3A_86 = arith.extui %and3A : i1 to i32
      %cond3A_87 = arith.constant 0 : i32
      %cond3A_88 = arith.cmpi ne, %convert_element_type3A_86, %cond3A_87 : i32
      scf.if %cond3A_88 {
        %add3A_120 = arith.addi %mul3A_2, %scan3A_78 : i32
        %multiple_of3A = tpu.assume_multiple %add3A_120, 16 : i32
        "tpu.region"() ({
          %run_scoped3A = tpu.sem_alloc : memref<!tpu.dma_semaphore, #tpu.memory_space<semaphore_mem>>
          %dma_start3A = arith.constant 0 : i32
          %dma_start3A_121 = tpu.memref_slice %arg2[%multiple_of3A, %dma_start3A] : memref<10000x640xi32, #tpu.memory_space<hbm>> -> memref<16x640xi32, #tpu.memory_space<hbm>>
          %dma_start3A_122 = arith.constant 0 : i32
          %dma_start3A_123 = tpu.memref_slice %arg2[%multiple_of3A, %dma_start3A_122] : memref<10000x640xi32, #tpu.memory_space<hbm>> -> memref<16x640xi32, #tpu.memory_space<hbm>>
          tpu.enqueue_dma source(%dma_start3A_123 : memref<16x640xi32, #tpu.memory_space<hbm>>) target(%arg5 : memref<16x640xi32, #tpu.memory_space<vmem>>) target_semaphore(%run_scoped3A : memref<!tpu.dma_semaphore, #tpu.memory_space<semaphore_mem>>)
          %dma_wait3A = arith.constant 0 : i32
          %dma_wait3A_124 = tpu.memref_slice %arg2[%multiple_of3A, %dma_wait3A] : memref<10000x640xi32, #tpu.memory_space<hbm>> -> memref<16x640xi32, #tpu.memory_space<hbm>>
          %dma_wait3A_125 = arith.constant 0 : i32
          %dma_wait3A_126 = tpu.memref_slice %arg2[%multiple_of3A, %dma_wait3A_125] : memref<10000x640xi32, #tpu.memory_space<hbm>> -> memref<16x640xi32, #tpu.memory_space<hbm>>
          tpu.wait_dma2 semaphore(%run_scoped3A : memref<!tpu.dma_semaphore, #tpu.memory_space<semaphore_mem>>) src(%dma_wait3A_126 : memref<16x640xi32, #tpu.memory_space<hbm>>) dst(%arg5 : memref<16x640xi32, #tpu.memory_space<vmem>>)
          tpu.yield
        }) : () -> ()
      } else {
      }
      %rem3A_89 = arith.constant 16 : i32
      %rem3A_90 = arith.remsi %scan3A_78, %rem3A_89 : i32
      %mul3A_91 = arith.constant 128 : i32
      %mul3A_92 = arith.muli %mul3A_91, %scan3A_80 : i32
      %add3A_93 = arith.addi %mul3A_92, %scan3A_79 : i32
      %convert_element_type3A_94 = arith.extui %lt3A_83 : i1 to i32
      %cond3A_95 = arith.constant 0 : i32
      %cond3A_96 = arith.cmpi ne, %convert_element_type3A_94, %cond3A_95 : i32
      %cond3A_97:2 = scf.if %cond3A_96 -> (i32, i32) {
        %scan3A_120 = arith.constant 0 : i32
        %scan3A_121 = arith.constant 40 : i32
        %scan3A_122 = arith.addi %scan3A_120, %scan3A_121 : i32
        %scan3A_123 = arith.constant 1 : i32
        %scan3A_124:2 = scf.for %scan3A_126 = %scan3A_120 to %scan3A_122 step %scan3A_123 iter_args(%scan3A_127 = %scan3A_79, %scan3A_128 = %scan3A_80) -> (i32, i32)  : i32 {
          %mul3A_129 = arith.constant 16 : i32
          %mul3A_130 = arith.muli %mul3A_129, %scan3A_126 : i32
          %get3A = arith.index_cast %rem3A_90 : i32 to index
          %get3A_131 = arith.index_cast %mul3A_130 : i32 to index
          %get3A_132 = tpu.vector_load %arg5[%get3A, %get3A_131] {strides = array<i32>} : memref<16x640xi32, #tpu.memory_space<vmem>>, vector<16xi32>,
          %while3A:3 = scf.while (%while3A_133 = %get3A_132, %while3A_134 = %scan3A_127, %while3A_135 = %scan3A_128) : (vector<16xi32>, i32, i32) -> (vector<16xi32>, i32, i32) {
            %ne3A = arith.constant 0 : i32
            %ne3A_136 = vector.broadcast %ne3A : i32 to vector<16xi32>
            %ne3A_137 = arith.cmpi ne, %while3A_133, %ne3A_136 : vector<16xi32>
            %reduce_or3A = arith.constant 1.000000e+00 : f32
            %reduce_or3A_138 = arith.constant 0.000000e+00 : f32
            %reduce_or3A_139 = vector.broadcast %reduce_or3A : f32 to vector<16xf32>
            %reduce_or3A_140 = vector.broadcast %reduce_or3A_138 : f32 to vector<16xf32>
            %reduce_or3A_141 = arith.select %ne3A_137, %reduce_or3A_139, %reduce_or3A_140 : vector<16xi1>, vector<16xf32>
            %reduce_or3A_142 = arith.constant true
            %reduce_or3A_143 = vector.broadcast %reduce_or3A_142 : i1 to vector<16xi1>
            %reduce_or3A_144 = tpu.scan <max>, %reduce_or3A_141 masked %reduce_or3A_143 : vector<16xf32>, vector<16xi1> -> vector<16xf32>
            %reduce_or3A_145 = vector.extract %reduce_or3A_144[15] : f32 from vector<16xf32>
            %reduce_or3A_146 = arith.constant 0.000000e+00 : f32
            %reduce_or3A_147 = arith.cmpf ogt, %reduce_or3A_145, %reduce_or3A_146 : f32
            scf.condition(%reduce_or3A_147) %while3A_133, %while3A_134, %while3A_135 : vector<16xi32>, i32, i32
          } do {
          ^bb0(%while3A_133: vector<16xi32>, %while3A_134: i32, %while3A_135: i32):
            %neg3A = arith.constant 0 : i32
            %neg3A_136 = vector.broadcast %neg3A : i32 to vector<16xi32>
            %neg3A_137 = arith.subi %neg3A_136, %while3A_133 : vector<16xi32>
            %and3A_138 = arith.andi %while3A_133, %neg3A_137 : vector<16xi32>
            %convert_element_type3A_139 = arith.sitofp %and3A_138 : vector<16xi32> to vector<16xf32>
            %bitcast3A = vector.bitcast %convert_element_type3A_139 : vector<16xf32> to vector<16xi32>
            %shift_right_logical3A = arith.constant 23 : i32
            %shift_right_logical3A_140 = vector.broadcast %shift_right_logical3A : i32 to vector<16xi32>
            %shift_right_logical3A_141 = arith.shrui %bitcast3A, %shift_right_logical3A_140 : vector<16xi32>
            %sub3A_142 = arith.constant 127 : i32
            %sub3A_143 = vector.broadcast %sub3A_142 : i32 to vector<16xi32>
            %sub3A_144 = arith.subi %shift_right_logical3A_141, %sub3A_143 : vector<16xi32>
            %mul3A_145 = arith.constant 16 : i32
            %mul3A_146 = arith.muli %mul3A_145, %scan3A_126 : i32
            %add3A_147 = vector.broadcast %mul3A_146 : i32 to vector<16xi32>
            %add3A_148 = arith.addi %add3A_147, %iota3A : vector<16xi32>
            %mul3A_149 = arith.constant 16 : i32
            %mul3A_150 = vector.broadcast %mul3A_149 : i32 to vector<16xi32>
            %mul3A_151 = arith.muli %add3A_148, %mul3A_150 : vector<16xi32>
            %add3A_152 = arith.addi %mul3A_151, %sub3A_144 : vector<16xi32>
            %ne3A = arith.constant 0 : i32
            %ne3A_153 = vector.broadcast %ne3A : i32 to vector<16xi32>
            %ne3A_154 = arith.cmpi ne, %while3A_133, %ne3A_153 : vector<16xi32>
            %swap3A_155 = arith.index_cast %while3A_134 : i32 to index
            %swap3A_156 = tpu.vector_load %arg6[%swap3A_155] masked %ne3A_154 {strides = array<i32>} : memref<256xi32, #tpu.memory_space<vmem>>, vector<16xi32>, vector<16xi1>
            tpu.vector_store %arg6[%swap3A_155], %add3A_152 masked %ne3A_154 {strides = array<i32>} : memref<256xi32, #tpu.memory_space<vmem>>, vector<16xi32>, vector<16xi1>
            %all_reduce_population_count3A = tpu.all_reduce %ne3A_154 {dim = 0 : i64, kind = #tpu.reduction_kind<sum>} : vector<16xi1> -> vector<16xi32>
            %slice3A = vector.extract_strided_slice %all_reduce_population_count3A {offsets = [0], sizes = [1], strides = [1]} : vector<16xi32> to vector<1xi32>
            %squeeze3A = vector.extract %slice3A[0] : i32 from vector<1xi32>
            %add3A_157 = arith.addi %while3A_134, %squeeze3A : i32
            %xor3A = arith.xori %while3A_133, %and3A_138 : vector<16xi32>
            %ge3A = arith.constant 128 : i32
            %ge3A_158 = arith.cmpi sge, %add3A_157, %ge3A : i32
            %convert_element_type3A_159 = arith.extui %ge3A_158 : i1 to i32
            %cond3A_160 = arith.constant 0 : i32
            %cond3A_161 = arith.cmpi ne, %convert_element_type3A_159, %cond3A_160 : i32
            scf.if %cond3A_161 {
              %mul3A_172 = arith.constant 128 : i32
              %mul3A_173 = arith.muli %while3A_135, %mul3A_172 : i32
              %add3A_174 = arith.addi %mul3A_4, %mul3A_173 : i32
              "tpu.region"() ({
                %run_scoped3A = tpu.sem_alloc : memref<!tpu.dma_semaphore, #tpu.memory_space<semaphore_mem>>
                %dma_start3A = arith.constant 0 : i32
                %dma_start3A_207 = tpu.memref_slice %arg6[%dma_start3A] : memref<256xi32, #tpu.memory_space<vmem>> -> memref<128xi32, #tpu.memory_space<vmem>>
                %dma_start3A_208 = tpu.memref_slice %arg3[%add3A_174] : memref<10240000xi32, #tpu.memory_space<hbm>> -> memref<128xi32, #tpu.memory_space<hbm>>
                %dma_start3A_209 = tpu.memref_slice %arg3[%add3A_174] : memref<10240000xi32, #tpu.memory_space<hbm>> -> memref<128xi32, #tpu.memory_space<hbm>>
                %dma_start3A_210 = arith.constant 0 : i32
                %dma_start3A_211 = tpu.memref_slice %arg6[%dma_start3A_210] : memref<256xi32, #tpu.memory_space<vmem>> -> memref<128xi32, #tpu.memory_space<vmem>>
                tpu.enqueue_dma source(%dma_start3A_211 : memref<128xi32, #tpu.memory_space<vmem>>) target(%dma_start3A_209 : memref<128xi32, #tpu.memory_space<hbm>>) target_semaphore(%run_scoped3A : memref<!tpu.dma_semaphore, #tpu.memory_space<semaphore_mem>>)
                %dma_wait3A = arith.constant 0 : i32
                %dma_wait3A_212 = tpu.memref_slice %arg6[%dma_wait3A] : memref<256xi32, #tpu.memory_space<vmem>> -> memref<128xi32, #tpu.memory_space<vmem>>
                %dma_wait3A_213 = tpu.memref_slice %arg3[%add3A_174] : memref<10240000xi32, #tpu.memory_space<hbm>> -> memref<128xi32, #tpu.memory_space<hbm>>
                %dma_wait3A_214 = tpu.memref_slice %arg3[%add3A_174] : memref<10240000xi32, #tpu.memory_space<hbm>> -> memref<128xi32, #tpu.memory_space<hbm>>
                %dma_wait3A_215 = arith.constant 0 : i32
                %dma_wait3A_216 = tpu.memref_slice %arg6[%dma_wait3A_215] : memref<256xi32, #tpu.memory_space<vmem>> -> memref<128xi32, #tpu.memory_space<vmem>>
                tpu.wait_dma2 semaphore(%run_scoped3A : memref<!tpu.dma_semaphore, #tpu.memory_space<semaphore_mem>>) src(%dma_wait3A_216 : memref<128xi32, #tpu.memory_space<vmem>>) dst(%dma_wait3A_214 : memref<128xi32, #tpu.memory_space<hbm>>)
                tpu.yield
              }) : () -> ()
              %get3A_175 = arith.constant 128 : index
              %get3A_176 = tpu.vector_load %arg6[%get3A_175] {strides = array<i32>} : memref<256xi32, #tpu.memory_space<vmem>>, vector<16xi32>,
              %swap3A_177 = arith.constant 0 : index
              %swap3A_178 = tpu.vector_load %arg6[%swap3A_177] {strides = array<i32>} : memref<256xi32, #tpu.memory_space<vmem>>, vector<16xi32>,
              tpu.vector_store %arg6[%swap3A_177], %get3A_176 {strides = array<i32>} : memref<256xi32, #tpu.memory_space<vmem>>, vector<16xi32>,
              %get3A_179 = arith.constant 144 : index
              %get3A_180 = tpu.vector_load %arg6[%get3A_179] {strides = array<i32>} : memref<256xi32, #tpu.memory_space<vmem>>, vector<16xi32>,
              %swap3A_181 = arith.constant 16 : index
              %swap3A_182 = tpu.vector_load %arg6[%swap3A_181] {strides = array<i32>} : memref<256xi32, #tpu.memory_space<vmem>>, vector<16xi32>,
              tpu.vector_store %arg6[%swap3A_181], %get3A_180 {strides = array<i32>} : memref<256xi32, #tpu.memory_space<vmem>>, vector<16xi32>,
              %get3A_183 = arith.constant 160 : index
              %get3A_184 = tpu.vector_load %arg6[%get3A_183] {strides = array<i32>} : memref<256xi32, #tpu.memory_space<vmem>>, vector<16xi32>,
              %swap3A_185 = arith.constant 32 : index
              %swap3A_186 = tpu.vector_load %arg6[%swap3A_185] {strides = array<i32>} : memref<256xi32, #tpu.memory_space<vmem>>, vector<16xi32>,
              tpu.vector_store %arg6[%swap3A_185], %get3A_184 {strides = array<i32>} : memref<256xi32, #tpu.memory_space<vmem>>, vector<16xi32>,
              %get3A_187 = arith.constant 176 : index
              %get3A_188 = tpu.vector_load %arg6[%get3A_187] {strides = array<i32>} : memref<256xi32, #tpu.memory_space<vmem>>, vector<16xi32>,
              %swap3A_189 = arith.constant 48 : index
              %swap3A_190 = tpu.vector_load %arg6[%swap3A_189] {strides = array<i32>} : memref<256xi32, #tpu.memory_space<vmem>>, vector<16xi32>,
              tpu.vector_store %arg6[%swap3A_189], %get3A_188 {strides = array<i32>} : memref<256xi32, #tpu.memory_space<vmem>>, vector<16xi32>,
              %get3A_191 = arith.constant 192 : index
              %get3A_192 = tpu.vector_load %arg6[%get3A_191] {strides = array<i32>} : memref<256xi32, #tpu.memory_space<vmem>>, vector<16xi32>,
              %swap3A_193 = arith.constant 64 : index
              %swap3A_194 = tpu.vector_load %arg6[%swap3A_193] {strides = array<i32>} : memref<256xi32, #tpu.memory_space<vmem>>, vector<16xi32>,
              tpu.vector_store %arg6[%swap3A_193], %get3A_192 {strides = array<i32>} : memref<256xi32, #tpu.memory_space<vmem>>, vector<16xi32>,
              %get3A_195 = arith.constant 208 : index
              %get3A_196 = tpu.vector_load %arg6[%get3A_195] {strides = array<i32>} : memref<256xi32, #tpu.memory_space<vmem>>, vector<16xi32>,
              %swap3A_197 = arith.constant 80 : index
              %swap3A_198 = tpu.vector_load %arg6[%swap3A_197] {strides = array<i32>} : memref<256xi32, #tpu.memory_space<vmem>>, vector<16xi32>,
              tpu.vector_store %arg6[%swap3A_197], %get3A_196 {strides = array<i32>} : memref<256xi32, #tpu.memory_space<vmem>>, vector<16xi32>,
              %get3A_199 = arith.constant 224 : index
              %get3A_200 = tpu.vector_load %arg6[%get3A_199] {strides = array<i32>} : memref<256xi32, #tpu.memory_space<vmem>>, vector<16xi32>,
              %swap3A_201 = arith.constant 96 : index
              %swap3A_202 = tpu.vector_load %arg6[%swap3A_201] {strides = array<i32>} : memref<256xi32, #tpu.memory_space<vmem>>, vector<16xi32>,
              tpu.vector_store %arg6[%swap3A_201], %get3A_200 {strides = array<i32>} : memref<256xi32, #tpu.memory_space<vmem>>, vector<16xi32>,
              %get3A_203 = arith.constant 240 : index
              %get3A_204 = tpu.vector_load %arg6[%get3A_203] {strides = array<i32>} : memref<256xi32, #tpu.memory_space<vmem>>, vector<16xi32>,
              %swap3A_205 = arith.constant 112 : index
              %swap3A_206 = tpu.vector_load %arg6[%swap3A_205] {strides = array<i32>} : memref<256xi32, #tpu.memory_space<vmem>>, vector<16xi32>,
              tpu.vector_store %arg6[%swap3A_205], %get3A_204 {strides = array<i32>} : memref<256xi32, #tpu.memory_space<vmem>>, vector<16xi32>,
            } else {
            }
            %ge3A_162 = arith.constant 128 : i32
            %ge3A_163 = arith.cmpi sge, %add3A_157, %ge3A_162 : i32
            %add3A_164 = arith.constant 1 : i32
            %add3A_165 = arith.addi %while3A_135, %add3A_164 : i32
            %select_n3A_166 = arith.select %ge3A_163, %add3A_165, %while3A_135 : i32
            %ge3A_167 = arith.constant 128 : i32
            %ge3A_168 = arith.cmpi sge, %add3A_157, %ge3A_167 : i32
            %sub3A_169 = arith.constant 128 : i32
            %sub3A_170 = arith.subi %add3A_157, %sub3A_169 : i32
            %select_n3A_171 = arith.select %ge3A_168, %sub3A_170, %add3A_157 : i32
            scf.yield %xor3A, %select_n3A_171, %select_n3A_166 : vector<16xi32>, i32, i32
          }
          scf.yield %while3A#1, %while3A#2 : i32, i32
        }
        %scan3A_125 = arith.constant 40 : i32
        scf.yield %scan3A_124#0, %scan3A_124#1 : i32, i32
      } else {
        scf.yield %scan3A_79, %scan3A_80 : i32, i32
      }
      %mul3A_98 = arith.constant 128 : i32
      %mul3A_99 = arith.muli %mul3A_98, %cond3A_97#1 : i32
      %add3A_100 = arith.addi %mul3A_99, %cond3A_97#0 : i32
      %sub3A = arith.subi %add3A_100, %add3A_93 : i32
      %eq3A_101 = vector.broadcast %rem3A_90 : i32 to vector<16xi32>
      %eq3A_102 = arith.cmpi eq, %iota3A, %eq3A_101 : vector<16xi32>
      %jit3A = arith.constant 0 : i32
      %broadcast_in_dim3A_103 = vector.broadcast %sub3A : i32 to vector<16xi32>
      %broadcast_in_dim3A_104 = vector.broadcast %jit3A : i32 to vector<16xi32>
      %select_n3A = arith.select %eq3A_102, %broadcast_in_dim3A_103, %broadcast_in_dim3A_104 : vector<16xi1>, vector<16xi32>
      %add3A_105 = arith.addi %scan3A_81, %select_n3A : vector<16xi32>
      %rem3A_106 = arith.constant 16 : i32
      %rem3A_107 = arith.remsi %scan3A_78, %rem3A_106 : i32
      %eq3A_108 = arith.constant 15 : i32
      %eq3A_109 = arith.cmpi eq, %rem3A_107, %eq3A_108 : i32
      %convert_element_type3A_110 = arith.extui %eq3A_109 : i1 to i32
      %cond3A_111 = arith.constant 0 : i32
      %cond3A_112 = arith.cmpi ne, %convert_element_type3A_110, %cond3A_111 : i32
      scf.if %cond3A_112 {
        %sub3A_120 = arith.constant 15 : i32
        %sub3A_121 = arith.subi %scan3A_78, %sub3A_120 : i32
        %multiple_of3A = tpu.assume_multiple %sub3A_121, 16 : i32
        %swap3A_122 = arith.index_cast %multiple_of3A : i32 to index
        %swap3A_123 = tpu.vector_load %arg7[%swap3A_122] {strides = array<i32>} : memref<320xi32, #tpu.memory_space<vmem>>, vector<16xi32>,
        tpu.vector_store %arg7[%swap3A_122], %add3A_105 {strides = array<i32>} : memref<320xi32, #tpu.memory_space<vmem>>, vector<16xi32>,
      } else {
      }
      %rem3A_113 = arith.constant 16 : i32
      %rem3A_114 = arith.remsi %scan3A_78, %rem3A_113 : i32
      %eq3A_115 = arith.constant 15 : i32
      %eq3A_116 = arith.cmpi eq, %rem3A_114, %eq3A_115 : i32
      %broadcast_in_dim3A_117 = arith.constant 0 : i32
      %broadcast_in_dim3A_118 = vector.broadcast %broadcast_in_dim3A_117 : i32 to vector<16xi32>
      %select_n3A_119 = arith.select %eq3A_116, %broadcast_in_dim3A_118, %add3A_105 : vector<16xi32>
      scf.yield %cond3A_97#0, %cond3A_97#1, %select_n3A_119 : i32, i32, vector<16xi32>
    }
    %scan3A_75 = arith.constant 320 : i32
    %gt3A = arith.constant 0 : i32
    %gt3A_76 = arith.cmpi sgt, %scan3A_74#0, %gt3A : i32
    %convert_element_type3A = arith.extui %gt3A_76 : i1 to i32
    %cond3A = arith.constant 0 : i32
    %cond3A_77 = arith.cmpi ne, %convert_element_type3A, %cond3A : i32
    scf.if %cond3A_77 {
      %mul3A_78 = arith.constant 128 : i32
      %mul3A_79 = arith.muli %scan3A_74#1, %mul3A_78 : i32
      %add3A_80 = arith.addi %mul3A_4, %mul3A_79 : i32
      "tpu.region"() ({
        %run_scoped3A = tpu.sem_alloc : memref<!tpu.dma_semaphore, #tpu.memory_space<semaphore_mem>>
        %dma_start3A = arith.constant 0 : i32
        %dma_start3A_81 = tpu.memref_slice %arg6[%dma_start3A] : memref<256xi32, #tpu.memory_space<vmem>> -> memref<128xi32, #tpu.memory_space<vmem>>
        %dma_start3A_82 = tpu.memref_slice %arg3[%add3A_80] : memref<10240000xi32, #tpu.memory_space<hbm>> -> memref<128xi32, #tpu.memory_space<hbm>>
        %dma_start3A_83 = tpu.memref_slice %arg3[%add3A_80] : memref<10240000xi32, #tpu.memory_space<hbm>> -> memref<128xi32, #tpu.memory_space<hbm>>
        %dma_start3A_84 = arith.constant 0 : i32
        %dma_start3A_85 = tpu.memref_slice %arg6[%dma_start3A_84] : memref<256xi32, #tpu.memory_space<vmem>> -> memref<128xi32, #tpu.memory_space<vmem>>
        tpu.enqueue_dma source(%dma_start3A_85 : memref<128xi32, #tpu.memory_space<vmem>>) target(%dma_start3A_83 : memref<128xi32, #tpu.memory_space<hbm>>) target_semaphore(%run_scoped3A : memref<!tpu.dma_semaphore, #tpu.memory_space<semaphore_mem>>)
        %dma_wait3A = arith.constant 0 : i32
        %dma_wait3A_86 = tpu.memref_slice %arg6[%dma_wait3A] : memref<256xi32, #tpu.memory_space<vmem>> -> memref<128xi32, #tpu.memory_space<vmem>>
        %dma_wait3A_87 = tpu.memref_slice %arg3[%add3A_80] : memref<10240000xi32, #tpu.memory_space<hbm>> -> memref<128xi32, #tpu.memory_space<hbm>>
        %dma_wait3A_88 = tpu.memref_slice %arg3[%add3A_80] : memref<10240000xi32, #tpu.memory_space<hbm>> -> memref<128xi32, #tpu.memory_space<hbm>>
        %dma_wait3A_89 = arith.constant 0 : i32
        %dma_wait3A_90 = tpu.memref_slice %arg6[%dma_wait3A_89] : memref<256xi32, #tpu.memory_space<vmem>> -> memref<128xi32, #tpu.memory_space<vmem>>
        tpu.wait_dma2 semaphore(%run_scoped3A : memref<!tpu.dma_semaphore, #tpu.memory_space<semaphore_mem>>) src(%dma_wait3A_90 : memref<128xi32, #tpu.memory_space<vmem>>) dst(%dma_wait3A_88 : memref<128xi32, #tpu.memory_space<hbm>>)
        tpu.yield
      }) : () -> ()
    } else {
    }
    "tpu.region"() ({
      %run_scoped3A = tpu.sem_alloc : memref<!tpu.dma_semaphore, #tpu.memory_space<semaphore_mem>>
      %dma_start3A = tpu.memref_slice %arg4[%mul3A_2] : memref<10240xi32, #tpu.memory_space<hbm>> -> memref<320xi32, #tpu.memory_space<hbm>>
      %dma_start3A_78 = tpu.memref_slice %arg4[%mul3A_2] : memref<10240xi32, #tpu.memory_space<hbm>> -> memref<320xi32, #tpu.memory_space<hbm>>
      tpu.enqueue_dma source(%arg7 : memref<320xi32, #tpu.memory_space<vmem>>) target(%dma_start3A_78 : memref<320xi32, #tpu.memory_space<hbm>>) target_semaphore(%run_scoped3A : memref<!tpu.dma_semaphore, #tpu.memory_space<semaphore_mem>>)
      %dma_wait3A = tpu.memref_slice %arg4[%mul3A_2] : memref<10240xi32, #tpu.memory_space<hbm>> -> memref<320xi32, #tpu.memory_space<hbm>>
      %dma_wait3A_79 = tpu.memref_slice %arg4[%mul3A_2] : memref<10240xi32, #tpu.memory_space<hbm>> -> memref<320xi32, #tpu.memory_space<hbm>>
      tpu.wait_dma2 semaphore(%run_scoped3A : memref<!tpu.dma_semaphore, #tpu.memory_space<semaphore_mem>>) src(%arg7 : memref<320xi32, #tpu.memory_space<vmem>>) dst(%dma_wait3A_79 : memref<320xi32, #tpu.memory_space<hbm>>)
      tpu.yield
    }) : () -> ()
    return
  }
}

</mosaic_0001>

<sc_bundles>
// kernel: _sc_extract.3.cloned.1.call-start
scs
__scs_entry_jumppad:
0x0: {  	(pc) =	sbr.rel $0x88, $3  }
0x1: {  	(tag) =	ssettag $0x0;
	lr =	simm.s32 $0x1  }
0x2: {  	[smem:$0x3FA0] =	sst lr;
	_ =	strace $0xD0000000  }
0x3: {  	_ = 	snop  }
0x4: {  	_ = 	snop  }
0x5: {  	_ = 	snop  }
0x6: {  	_ = 	snop  }
0x7: {  	_ = 	snop  }
__scs_overlays_trampoline_lowered:
0x8: {  	[smem:$0x3FAF] =	sst s0  }
0x9: {  	[smem:$0x3FB0] =	sst s1  }
0xa: {  	[smem:$0x3FB1] =	sst s2  }
0xb: {  	[smem:$0x3FB2] =	sst s3  }
0xc: {  	[smem:$0x3FB3] =	sst s4  }
0xd: {  	[smem:$0x3FB4] =	sst s5  }
0xe: {  	[smem:$0x3FB5] =	sst s6  }
0xf: {  	[smem:$0x3FB6] =	sst s7  }
0x10: {  	[smem:$0x3FB7] =	sst s8  }
0x11: {  	[smem:$0x3FB8] =	sst s9;
	s0 =	simm.s32 @!p0 $0x0  }
0x12: {  	s1 =	sld [smem:$0x3F9E];
	s0 =	simm.s32 @p0 $0x1  }
0x13: {  	[smem:$0x3FB9] =	sst s0;
	s0 =	simm.s32 @!p1 $0x0  }
0x14: {  	s2 =	sld [smem:$0x3F9D];
	s0 =	simm.s32 @p1 $0x1  }
0x15: {  	[smem:$0x3FBA] =	sst s0;
	s0 =	simm.s32 @!p2 $0x0  }
0x16: {  	s3 =	sld [smem:$0x3FDB];
	s0 =	simm.s32 @p2 $0x1  }
0x17: {  	s4 =	simm.s32 $0x1BF5;
	[smem:$0x3FBC] =	sst s0  }
0x18: {  	s0 =	sld [smem:$0x3F9F];
	_ =	swait.ge [sflag:s4], $0x0  }
0x19: {  	s7 =	sld [smem:$0x3FA0]  }
0x1a: {  	s8 =	sadd.s32 $0xFFFFE003, lr  }
0x1b: {  	s9 =	sadd.s32 $0xFFFFFEF7, lr;
	s5 =	simm.s32 $0xFFFFFFFF;
	p2 =	slt.u32 s8, $0xFFFFF086  }
0x1c: {  	p1 =	slt.u32 s9, $0xF7A;
	s5 =	simm.s32 @!p2 $0x0  }
0x1d: {  	s5 =	simm.s32 @p1 $0x1;
	p0 =	seq.s32 s7, s2  }
0x1e: {  	s7 =	smul.u32 @!p0 $0xF7A, s2;
	p2 =	seq.s32 @!p0 s5, $0x0  }
0x1f: {  	s9 =	smul.u32 $0xF7A, s1;
	s8 =	simm.s32 @!p0 $0x1BF5;
	p2 =	por !p2, p0  }
0x20: {  	[sflag:s8] =	ssyncset.s32 @!p0 $0xFFFFF086;
	s6 =	sadd.s32 @!p0 s3, s7;
	s7 =	simm.s32 @!p0 $0x108  }
0x21: {  	s3 =	sadd.s32 s3, s9;
	s6 =	sadd.s32 @!p0 $0x88, s6;
	s7 =	simm.s32 @p2 $0x1082  }
0x22: {  	[simem:s7], [sflag:s8] =	dma.local @!p0 [hbm:s6], $0xF7A  }
0x23: {  	s9 =	sor.u32 $0xD0000000, s2;
	s6 =	simm.s32 $0x108;
	_ =	swait.ge @!p0 [sflag:s8], $0x0  }
0x24: {  	s3 =	sadd.s32 $0x88, s3;
	s6 =	simm.s32 @!p1 $0x1082;
	[sflag:s4] =	ssyncset.s32 $0xFFFFF086  }
0x25: {  	[simem:s6], [sflag:s4] =	dma.local [hbm:s3], $0xF7A  }
0x26: {  	[smem:$0x3FA0] =	sst s1;
	(tag) =	ssettag s2;
	_ =	strace s9  }
0x27: {  	s1 =	sld [smem:$0x3FB0]  }
0x28: {  	s2 =	sld [smem:$0x3FB1]  }
0x29: {  	s4 =	sld [smem:$0x3FB3]  }
0x2a: {  	p0 =	seq.s32 s5, $0x0;
	s5 =	sld [smem:$0x3FB4]  }
0x2b: {  	s6 =	sld [smem:$0x3FB5]  }
0x2c: {  	s7 =	sld [smem:$0x3FB6]  }
0x2d: {  	s3 =	simm.s32 $0x108;
	s8 =	sld [smem:$0x3FB7]  }
0x2e: {  	s3 =	simm.s32 @!p0 $0x1082;
	s9 =	sld [smem:$0x3FB8]  }
0x2f: {  	lr =	sadd.s32 s0, s3;
	s0 =	sld [smem:$0x3FAF]  }
0x30: {  	s3 =	sld [smem:$0x3FB2]  }
0x31: {  	[smem:$0x3FBB] =	sst s10  }
0x32: {  	s10 =	sld [smem:$0x3FB9];
	_ =	sdelay $0x3  }
0x33: {  	p0 =	seq.s32 s10, $0x1;
	s10 =	sld [smem:$0x3FBB];
	_ =	sdelay $0x3  }
0x34: {  	[smem:$0x3FBB] =	sst s10  }
0x35: {  	s10 =	sld [smem:$0x3FBA];
	_ =	sdelay $0x3  }
0x36: {  	p1 =	seq.s32 s10, $0x1;
	s10 =	sld [smem:$0x3FBB];
	_ =	sdelay $0x3  }
0x37: {  	[smem:$0x3FBB] =	sst s10  }
0x38: {  	s10 =	sld [smem:$0x3FBC]  }
0x39: {  	_ = 	snop;
	(pc) =	sbr.ind lr, $3  }
0x3a: {  	_ = 	snop  }
0x3b: {  	_ = 	snop  }
0x3c: {  	p2 =	seq.s32 s10, $0x1;
	s10 =	sld [smem:$0x3FBB]  }
0x3d: {  	_ =	shalt  }
0x3e: {  	_ =	shalt  }
0x3f: {  	_ =	shalt  }
0x40: {  	_ =	shalt  }
0x41: {  	_ =	shalt  }
0x42: {  	_ =	shalt  }
0x43: {  	_ =	shalt  }
0x44: {  	_ =	shalt  }
0x45: {  	_ =	shalt  }
0x46: {  	_ =	shalt  }
0x47: {  	_ =	shalt  }
0x48: {  	_ =	shalt  }
0x49: {  	_ =	shalt  }
0x4a: {  	_ =	shalt  }
0x4b: {  	_ =	shalt  }
0x4c: {  	_ =	shalt  }
0x4d: {  	_ =	shalt  }
0x4e: {  	_ =	shalt  }
0x4f: {  	_ =	shalt  }
0x50: {  	_ =	shalt  }
0x51: {  	_ =	shalt  }
0x52: {  	_ =	shalt  }
0x53: {  	_ =	shalt  }
0x54: {  	_ =	shalt  }
0x55: {  	_ =	shalt  }
0x56: {  	_ =	shalt  }
0x57: {  	_ =	shalt  }
0x58: {  	_ =	shalt  }
0x59: {  	_ =	shalt  }
0x5a: {  	_ =	shalt  }
0x5b: {  	_ =	shalt  }
0x5c: {  	_ =	shalt  }
0x5d: {  	_ =	shalt  }
0x5e: {  	_ =	shalt  }
0x5f: {  	_ =	shalt  }
0x60: {  	_ =	shalt  }
0x61: {  	_ =	shalt  }
0x62: {  	_ =	shalt  }
0x63: {  	_ =	shalt  }
0x64: {  	_ =	shalt  }
0x65: {  	_ =	shalt  }
0x66: {  	_ =	shalt  }
0x67: {  	_ =	shalt  }
0x68: {  	_ =	shalt  }
0x69: {  	_ =	shalt  }
0x6a: {  	_ =	shalt  }
0x6b: {  	_ =	shalt  }
0x6c: {  	_ =	shalt  }
0x6d: {  	_ =	shalt  }
0x6e: {  	_ =	shalt  }
0x6f: {  	_ =	shalt  }
0x70: {  	_ =	shalt  }
0x71: {  	_ =	shalt  }
0x72: {  	_ =	shalt  }
0x73: {  	_ =	shalt  }
0x74: {  	_ =	shalt  }
0x75: {  	_ =	shalt  }
0x76: {  	_ =	shalt  }
0x77: {  	_ =	shalt  }
0x78: {  	_ =	shalt  }
0x79: {  	_ =	shalt  }
0x7a: {  	_ =	shalt  }
0x7b: {  	_ =	shalt  }
0x7c: {  	_ =	shalt  }
0x7d: {  	_ =	shalt  }
0x7e: {  	_ =	shalt  }
0x7f: {  	_ =	shalt  }
0x80: {  	_ =	shalt  }
0x81: {  	_ =	shalt  }
0x82: {  	_ =	shalt  }
0x83: {  	_ =	shalt  }
0x84: {  	_ =	shalt  }
0x85: {  	_ =	shalt  }
0x86: {  	_ =	shalt  }
0x87: {  	_ =	shalt  }
.Lfunc_end0:
.L_simem_size_0:
called_computation_lowered:
.L_overlay_start_0:
0x88: {  	s2 =	sld [smem:$0x3FD9]  }
0x89: {  	s3 =	sld [smem:$0x3FFE];
	_ =	sdelay $0x1  }
0x8a: {  	s1 =	srdreg.scid  }
0x8b: {  	s0 =	sand.u32 $0x1, s1  }
0x8c: {  	s15 =	sshll.u32 s0, $0xA;
	s2 =	sadd.s32 s3, s2  }
0x8d: {  	s2 =	sadd.s32 s2, s15  }
0x8e: {  	[smem:$0x3FC7] =	sst s2  }
0x8f: {  	_ = 	snop  }
0x90: {  	s2 =	sld [smem:$0x3FD0];
	_ =	sdelay $0x2  }
0x91: {  	s4 =	simm.s32 $0xA;
	s5 =	simm.s32 $0x10;
	s16 =	sld [smem:$0x3FC9]  }
0x92: {  	[smem:s5], [sflag:s4] =	dma.local [hbm:s2], $0x1  }
0x93: {  	_ =	swait.eq [sflag:s4], $0x1  }
0x94: {  	[sflag:s4] =	ssyncset.done $0x0  }
0x95: {  	s17 =	sld [smem:$0x10];
	[sflag:s4] =	ssyncadd.s32 $0xFFFFFFFF  }
0x96: {  	s18 =	sld [smem:$0x11];
	(tm) =	ssettm $0x1  }
0x97: {  	s19 =	sld [smem:$0x3FFB];
	_ =	sdelay $0x3  }
0x98: {  	_ =	strace s19  }
0x99: {  	s5 =	sld [smem:$0x3FFC];
	_ =	sdelay $0x3  }
0x9a: {  	_ =	strace s5  }
0x9b: {  	s5 =	sld [smem:$0x3FFD];
	_ =	sdelay $0x3  }
0x9c: {  	_ =	strace s5  }
0x9d: {  	_ =	strace $0x8FFFFFFF  }
0x9e: {  	s20 =	sld [smem:$0x3FDB];
	_ =	sdelay $0x1  }
0x9f: {  	s6 =	simm.s32 $_scs_section_size  }
0xa0: {  	s7 =	simm.s32 $_size__tile_overlayer_lowered;
	s8 =	simm.s32 $_tile_overlayer_lowered  }
0xa1: {  	s23 =	simm.s32 $0x1BFF;
	s22 =	sshll.u32 s8, $0x1;
	s5 =	sadd.s32 s6, s20  }
0xa2: {  	s9 =	simm.s32 $0x0;
	s21 =	sshll.u32 s7, $0x1;
	s7 =	sadd.s32 s22, s5  }
0xa3: {  	[timem:s9], [sflag:s23] =	dma.local [hbm:s7], s21  }
0xa4: {  	_ =	swait.ge [sflag:s23], s21  }
0xa5: {  	s6 =	ssub.s32 $0x0, s21;
	[sflag:s23] =	ssyncset.done $0x0  }
0xa6: {  	[sflag:s23] =	ssyncadd.s32 s6;
	_ =	sdelay $0x1  }
0xa7: {  	s24 =	simm.s32 $0x1B8B  }
0xa8: {  	_ =	swait.ge [sflag:s24], $0x1  }
0xa9: {  	[sflag:s24] =	ssyncset.done $0x0  }
0xaa: {  	s25 =	simm.s32 $0x1B8E;
	[sflag:s24] =	ssyncadd.s32 $0xFFFFFFFF  }
0xab: {  	s26 =	simm.s32 $execute0_lowered;
	[smem:$0x3FD2] =	sst s25  }
0xac: {  	s6 =	sshll.u32 s26, $0x1;
	_ =	strace $0x80000046;
	[dreg:$0x1] =	wrdreg $0xFFFFFFFF  }
0xad: {  	s28 =	simm.s32 $_size_execute0_lowered;
	s5 =	sadd.s32 s5, s6;
	[dreg:$0x0] =	wrdreg $0x0  }
0xae: {  	s6 =	sshll.u32 s28, $0x1;
	[dreg:$0x2] =	wrdreg s5  }
0xaf: {  	[dreg:$0x3] =	wrdreg s6  }
0xb0: {  	[dreg:$0x4] =	wrdreg $0xC0  }
0xb1: {  	_ =	task [dreg:s9], $0x5FFFF  }
0xb2: {  	[dreg:$0x1] =	wrdreg $0xFFFFFFFF  }
0xb3: {  	[dreg:$0x0] =	wrdreg $0x60  }
0xb4: {  	[dreg:$0x2] =	wrdreg s16  }
0xb5: {  	[dreg:$0x3] =	wrdreg s17  }
0xb6: {  	[dreg:$0x4] =	wrdreg s18  }
0xb7: {  	[dreg:$0x5] =	wrdreg $0x9  }
0xb8: {  	_ =	task.clear_ibuf [dreg:s9], $0x6FFFF;
	_ =	strace $0x90000046  }
0xb9: {  	s29 =	simm.s32 $0x9;
	_ =	strace $0x80000048  }
0xba: {  	_ =	swait.ge [sflag:s29], $0x1  }
0xbb: {  	[sflag:s29] =	ssyncadd.s32 $0xFFFFFFFF  }
0xbc: {  	_ =	strace $0x90000048  }
0xbd: {  	_ =	sfence  }
0xbe: {  	s30 =	sld [smem:$0x0];
	_ =	sdelay $0x2  }
0xbf: {  	s31 =	sshll.u32 s1, $0xD;
	s1 =	sshrl.u32 s1, $0x2  }
0xc0: {  	s3 =	sand.u32 $0x4000, s31;
	s1 =	sadd.s32 s1, s30  }
0xc1: {  	s0 =	sor.u32 s3, s0;
	s1 =	sshll.u32 s1, $0x11  }
0xc2: {  	s0 =	sor.u32 s1, s0  }
0xc3: {  	s0 =	sadd.s32 $0x8F2B, s0  }
0xc4: {  	[sflag:s0] =	ssyncadd.remote.s32 $0x1  }
0xc5: {  	_ =	sfence.sel $0xFFFF  }
0xc6: {  	[dreg:$0x0] =	wrdreg $0xFFFFFFFF;
	(pc) =	sbr.abs _section_cstart, $3  }
0xc7: {  	[dreg:$0x1] =	wrdreg $0xFFFFFFFF  }
0xc8: {  	_ =	task.clear_ibuf [dreg:s9], $0x2FFFF;
	_ =	strace $0x9FFFFFFF  }
0xc9: {  	(tm) =	ssettm $0x7FFFFFFF  }
tec
execute0_lowered:
.L_overlay_start_1:
0x0: {  	(tag) =	ssettag $0x1  }
0x1: {  	s0 =	rddreg [dreg:$0x0]  }
0x2: {  	s1 =	srdreg.scid;
	s3 =	rddreg [dreg:$0x1]  }
0x3: {  	s7 =	rddreg [dreg:$0x2];
	s2 =	stileid.u32;
	s5 =	sand.u32 $0x1, s1  }
0x4: {  	s10 =	simm.s32 $0x2900;
	s1 =	rddreg [dreg:$0x3];
	s4 =	sshll.u32 s5, $0x4  }
.Ltmp0:
0x5: {  	s8 =	ssub.s32 $0x2, s5;
	s6 =	sor.u32 s2, s4;
	(pc) =	sbr.rel .LBB2_1-.Ltmp0, $4  }
0x6: {  	s4 =	simm.s32 $0x0;
	s9 =	sshrl.u32 s8, $0x1;
	s5 =	smul.u32 $0x140, s6  }
0x7: {  	s11 =	simm.s32 $0x0;
	[smem:$0x7FF] =	sst s4;
	s8 =	ssub.s32 s8, s9  }
0x8: {  	v0 =	vlaneseq.u32;
	s6 =	smul.u32 $0x4E200, s6;
	s9 =	simm.s32 $0x1;
	s31 =	sshrl.u32 s5, $0x3  }
0x9: {  	v1 =	vimm.f32 $0.0e+00;
	v2 =	vmul.u32 $0x10, v0;
	_ =	strace $0x80000047;
	s8 =	smax.u32 s8, $0x1;
	s7 =	sadd.s32 s7, s31  }
.LBB2_11:
0xa: {  	p0 =	slt.s32 s17, $0x1  }
0xb: {  	s12 =	sshll.u32 @!p0 s16, $0x7  }
0xc: {  	s12 =	sadd.s32 @!p0 s6, s12  }
0xd: {  	s12 =	sshrl.u32 @!p0 s12, $0x3  }
0xe: {  	s13 =	simm.s32 @!p0 $0x0;
	s14 =	simm.s32 @!p0 $0x2800;
	s12 =	sadd.s32 @!p0 s3, s12  }
0xf: {  	[hbm4b:s12+s13] =	stream.linear.scatter @!p0 [tilespmem:s14], [sflag:$0x1], $0x80, $0x38;
	[tilespmem:$0x2A80] =	vst v63  }
0x10: {  	s12 =	simm.s32 @!p0 $0x1  }
0x11: {  	_ =	swait.ge @!p0 [sflag:s12], $0x80  }
0x12: {  	s11 =	sadd.s32 $0x1, s11;
	[sflag:s12] =	ssyncset.done @!p0 $0x0  }
0x13: {  	[sflag:s12] =	ssyncadd.s32 @!p0 $0xFFFFFF80;
	p0 =	sne.s32 s11, s8  }
.Ltmp1:
0x14: {  	_ = 	snop;
	(pc) =	sbr.rel @!p0 .LBB2_12-.Ltmp1, $4  }
0x15: {  	[hbm4b:s7+s4] =	stream.linear.scatter [tilespmem:s10], [sflag:$0x1], $0x140, $0x38;
	[tilespmem:$0x2A80] =	vst v63  }
0x16: {  	_ =	swait.ge [sflag:s9], $0x140  }
0x17: {  	[sflag:s9] =	ssyncset.done $0x0  }
0x18: {  	[sflag:s9] =	ssyncadd.s32 $0xFFFFFEC0  }
.LBB2_1:
0x19: {  	v3 =	vimm.s32 $0x0  }
0x1a: {  	[tilespmem:$0x2800] =	vst v3  }
0x1b: {  	[tilespmem:$0x2810] =	vst v3  }
0x1c: {  	[tilespmem:$0x2820] =	vst v3  }
0x1d: {  	[tilespmem:$0x2830] =	vst v3  }
0x1e: {  	[tilespmem:$0x2840] =	vst v3  }
0x1f: {  	[tilespmem:$0x2850] =	vst v3  }
0x20: {  	[tilespmem:$0x2860] =	vst v3  }
0x21: {  	[tilespmem:$0x2870] =	vst v3  }
0x22: {  	[tilespmem:$0x2880] =	vst v3  }
0x23: {  	[tilespmem:$0x2890] =	vst v3  }
0x24: {  	[tilespmem:$0x28A0] =	vst v3  }
.Ltmp2:
0x25: {  	[tilespmem:$0x28B0] =	vst v3;
	(pc) =	sbr.rel .LBB2_2-.Ltmp2, $4  }
0x26: {  	[tilespmem:$0x28C0] =	vst v3  }
0x27: {  	[tilespmem:$0x28D0] =	vst v3  }
0x28: {  	[tilespmem:$0x28E0] =	vst v3  }
0x29: {  	s13 =	simm.s32 $0x0;
	s14 =	simm.s32 $0x0;
	s12 =	simm.s32 $0x0;
	[tilespmem:$0x28F0] =	vst v3  }
.LBB2_10:
0x2a: {  	s13 =	ssub.s32 s16, s13  }
0x2b: {  	s14 =	ssub.s32 s17, s14;
	s13 =	sshll.u32 s13, $0x7  }
0x2c: {  	v4 =	vmov s15;
	s13 =	sadd.s32 s13, s14  }
0x2d: {  	vm0 =	veq.s32 v4, v0;
	v4 =	vmov s13  }
0x2e: {  	v4 =	vnsel vm0, $0x0, v4  }
0x2f: {  	p0 =	sne.s32 s15, $0xF;
	v3 =	vadd.s32 v3, v4  }
0x30: {  	[tilespmem:s12+$0x28F1] =	vst @!p0 v3;
	s12 =	sadd.s32 $0x1, s12  }
0x31: {  	p1 =	sne.s32 s12, $0x140  }
.Ltmp3:
0x32: {  	_ = 	snop;
	(pc) =	sbr.rel @!p1 .LBB2_11-.Ltmp3, $2  }
0x33: {  	_ =	sdelay $0x2  }
0x34: {  	s14 =	smov.u32 s17;
	s13 =	smov.u32 s16;
	v3 =	vpsel !p0, $0x0, v3  }
.LBB2_2:
0x35: {  	s16 =	sadd.s32 s5, s12  }
0x36: {  	s15 =	sand.u32 $0xF, s12;
	p0 =	sgt.u32 s16, $0x270F  }
0x37: {  	p1 =	sne.s32 @!p0 s15, $0x0  }
0x38: {  	p1 =	por p0, p1  }
.Ltmp4:
0x39: {  	_ = 	snop;
	(pc) =	sbr.rel @p1 .LBB2_4-.Ltmp4, $1  }
0x3a: {  	_ =	sdelay $0x3  }
0x3b: {  	s16 =	sshrl.u32 s16, $0x3  }
0x3c: {  	s16 =	smul.u32 $0x280, s16;
	_ =	sdelay $0x1  }
0x3d: {  	s16 =	sadd.s32 s0, s16  }
0x3e: {  	[tilespmem:s4], [sflag:$0x1] =	stream.linear.gather [hbm4b:s16+s4], $0x2800, $0x38;
	[tilespmem:$0x2A80] =	vst v63  }
0x3f: {  	_ =	swait.ge [sflag:s9], $0x2800  }
0x40: {  	[sflag:s9] =	ssyncset.done $0x0  }
0x41: {  	[sflag:s9] =	ssyncadd.s32 $0xFFFFD800  }
.LBB2_5:
.Ltmp5:
0x42: {  	s16 =	sshrl.u32 s15, $0x3;
	(pc) =	sbr.rel .LBB2_6-.Ltmp5, $4  }
0x43: {  	s16 =	smul.u32 $0x5000, s16  }
0x44: {  	s17 =	sshll.u32 s12, $0x7  }
0x45: {  	s19 =	simm.s32 $0x0;
	s17 =	sand.u32 $0x380, s17;
	s16 =	sshrl.u32 s16, $0x2  }
0x46: {  	s18 =	sor.u32 s17, s16;
	s16 =	smov.u32 s13;
	s17 =	smov.u32 s14  }
.LBB2_9:
0x47: {  	s19 =	sadd.s32 $0x1, s19  }
0x48: {  	p0 =	sne.s32 s19, $0x28  }
.Ltmp6:
0x49: {  	_ = 	snop;
	(pc) =	sbr.rel @!p0 .LBB2_10-.Ltmp6, $1  }
0x4a: {  	_ =	sdelay $0x3  }
.LBB2_6:
0x4b: {  	s21 =	sshll.u32 s19, $0x7  }
0x4c: {  	s20 =	sshll.u32 s19, $0x4;
	s21 =	sand.u32 $0x1C00, s21  }
0x4d: {  	s22 =	sand.u32 $0x70, s20;
	s21 =	sadd.s32 s21, s18  }
0x4e: {  	s21 =	sadd.s32 s22, s21  }
0x4f: {  	v4 =	vld [tilespmem:s21+$0x0];
	_ =	sdelay $0x4  }
0x50: {  	vm0 =	vne.s32 v4, $0x0  }
0x51: {  	v5 =	vsel vm0, $0x3F800000, v1  }
0x52: {  	(xrf0) =	vmax.scan.msk.f32 $0xffff, v5;
	_ =	sdelay $0x5  }
0x53: {  	v5, _, _ =	vpop (xrf0)  }
0x54: {  	(v2sf) =	vpush v5, $0xF;
	_ =	sdelay $0xe  }
0x55: {  	s31 =	spop (v2sf)  }
0x56: {  	p0 =	sgt.f32 s31, $0.0e+00  }
.Ltmp7:
0x57: {  	_ = 	snop;
	(pc) =	sbr.rel @!p0 .LBB2_9-.Ltmp7, $1  }
0x58: {  	_ =	sdelay $0x3  }
0x59: {  	v5 =	vmov s20  }
0x5a: {  	v5 =	vshll.u32 v5, $0x4  }
0x5b: {  	v5 =	vor.u32 v2, v5  }
0x5c: {  	v5 =	vadd.s32 $0xFFFFFF81, v5  }
.LBB2_8:
0x5d: {  	v6 =	vmpcnt.ones.xlane vm0;
	_ =	sdelay $0x1  }
0x5e: {  	(v2sf) =	vpush v6, $0x0;
	_ =	sdelay $0x9  }
0x5f: {  	v6 =	vsub.s32 $0x0, v4  }
0x60: {  	v6 =	vand.u32 v6, v4  }
0x61: {  	v7 =	vcvt.s32.f32 v6;
	_ =	sdelay $0x1  }
0x62: {  	v7 =	vshrl.u32 v7, $0x17  }
0x63: {  	v7 =	vadd.s32 v7, v5;
	s20 =	spop (v2sf)  }
0x64: {  	[tilespmem:s17+$0x2800] =	vst.msk vm0, v7;
	s17 =	sadd.s32 s17, s20  }
0x65: {  	p0 =	slt.s32 s17, $0x80  }
0x66: {  	s20 =	sshll.u32 @!p0 s16, $0x7  }
0x67: {  	s20 =	sadd.s32 @!p0 s6, s20  }
0x68: {  	s20 =	sshrl.u32 @!p0 s20, $0x3  }
0x69: {  	s21 =	simm.s32 @!p0 $0x0;
	s22 =	simm.s32 @!p0 $0x2800;
	s20 =	sadd.s32 @!p0 s3, s20  }
0x6a: {  	[hbm4b:s20+s21] =	stream.linear.scatter @!p0 [tilespmem:s22], [sflag:$0x1], $0x80, $0x38;
	[tilespmem:$0x2A80] =	vst v63  }
0x6b: {  	vm0 =	vne.s32 v6, v4;
	s20 =	simm.s32 @!p0 $0x1  }
0x6c: {  	v7 =	vsel vm0, $0x3F800000, v1;
	_ =	swait.ge @!p0 [sflag:s20], $0x80  }
0x6d: {  	(xrf0) =	vmax.scan.msk.f32 $0xffff, v7;
	_ =	sdelay $0x5  }
0x6e: {  	v7, _, _ =	vpop (xrf0)  }
0x6f: {  	(v2sf) =	vpush v7, $0xF;
	_ =	sdelay $0x6  }
0x70: {  	[sflag:s20] =	ssyncset.done @!p0 $0x0  }
0x71: {  	[sflag:s20] =	ssyncadd.s32 @!p0 $0xFFFFFF80  }
0x72: {  	v8 =	vld @!p0 [tilespmem:$0x2890]  }
0x73: {  	v9 =	vld @!p0 [tilespmem:$0x28A0]  }
0x74: {  	v7 =	vld @!p0 [tilespmem:$0x2880]  }
0x75: {  	v10 =	vld @!p0 [tilespmem:$0x28B0]  }
0x76: {  	v11 =	vld @!p0 [tilespmem:$0x28C0]  }
0x77: {  	[tilespmem:$0x2810] =	vst @!p0 v8;
	v8 =	vld @!p0 [tilespmem:$0x28E0]  }
0x78: {  	[tilespmem:$0x2820] =	vst @!p0 v9;
	v9 =	vld @!p0 [tilespmem:$0x28F0];
	s31 =	spop (v2sf)  }
0x79: {  	[tilespmem:$0x2800] =	vst @!p0 v7;
	v7 =	vld @!p0 [tilespmem:$0x28D0];
	p2 =	sgt.f32 s31, $0.0e+00  }
.Ltmp8:
0x7a: {  	[tilespmem:$0x2830] =	vst @!p0 v10;
	(pc) =	sbr.rel @p2 .LBB2_8-.Ltmp8, $4  }
0x7b: {  	[tilespmem:$0x2840] =	vst @!p0 v11  }
0x7c: {  	p1 =	sgt.s32 s17, $0x7F;
	s21 =	simm.s32 $0x1;
	[tilespmem:$0x2860] =	vst @!p0 v8  }
0x7d: {  	s21 =	simm.s32 @!p1 $0x0;
	s20 =	sadd.s32 $0xFFFFFF80, s17;
	[tilespmem:$0x2870] =	vst @!p0 v9  }
0x7e: {  	v4 =	vxor.u32 v4, v6;
	s16 =	sadd.s32 s21, s16;
	s17 =	smov.u32 @p1 s20;
	[tilespmem:$0x2850] =	vst @!p0 v7  }
.Ltmp9:
0x7f: {  	_ = 	snop;
	(pc) =	sbr.rel .LBB2_9-.Ltmp9, $1  }
0x80: {  	_ =	sdelay $0x3  }
.LBB2_4:
.Ltmp10:
0x81: {  	(pc) =	sbr.rel @p0 .LBB2_10-.Ltmp10, $4  }
.Ltmp11:
0x82: {  	(pc) =	sbr.rel @!p0 .LBB2_5-.Ltmp11, $4  }
0x83: {  	_ = 	snop  }
0x84: {  	_ = 	snop  }
0x85: {  	s17 =	smov.u32 s14;
	s16 =	smov.u32 s13  }
0x86: {  	_ = 	snop  }
.LBB2_12:
0x87: {  	_ =	sfence.sel $0x180000  }
0x88: {  	[bflag:$0x0] =	sbarrier.arrive $0xFFFF  }
0x89: {  	p0 =	sne.s32 s2, $0x0;
	_ =	strace $0x90000047  }
0x8a: {  	s0 =	sadd.s32 @!p0 $0x100000, s1;
	[bflag:$0x2] =	sbarrier.arrive $0xFFFF  }
0x8b: {  	[sflag:s0] =	ssyncadd.tile.s32 @!p0 $0x1;
	_ =	shalt  }
.Lfunc_end2:
_tile_overlayer_lowered:
.L_overlay_start_2:
0x8c: {  	(tag) =	ssettag $0x2  }
0x8d: {  	s0 =	rddreg [dreg:$0x0];
	s2 =	stileid.u32  }
0x8e: {  	s1 =	rddreg [dreg:$0x1];
	p0 =	sne.s32 s2, $0x0  }
0x8f: {  	s3 =	rddreg [dreg:$0x2];
	[bflag:$0x3] =	sbarrier.arrive $0xFFFF;
	s2 =	simm.s32 @!p0 $0x1C01  }
0x90: {  	[timem:s3], [sflag:s2] =	dma.local @!p0 [hbm:s0], s1  }
0x91: {  	s0 =	simm.s32 @!p0 $0x1  }
0x92: {  	_ =	swait.ge @!p0 [sflag:s0], s1  }
0x93: {  	s1 =	ssub.s32 @!p0 $0x0, s1;
	[sflag:s0] =	ssyncset.done @!p0 $0x0  }
0x94: {  	[sflag:s0] =	ssyncadd.s32 @!p0 s1  }
0x95: {  	[bflag:$0x3] =	sbarrier.arrive $0xFFFF  }
0x96: {  	_ =	shalt  }

</sc_bundles>
